<compile_context>
chip_gen: v7x
topology: tpu7x:2x2x1
jax: 0.10.2.dev20260603
libtpu: 0.0.44.dev20260713+nightly
codegen_flags: <defaults>
</compile_context>

<pallas_src>
import functools

import jax
import jax.numpy as jnp
from jax import lax
from jax.experimental import pallas as pl
from jax.experimental.pallas import tpu as pltpu
from jax.experimental.pallas import tpu_sc as plsc

_BLK = 8000
_CP = 8


def _proj_body(tbl_ref, wt_ref, b_ref, out_ref):
    y = lax.dot_general(
        tbl_ref[...], wt_ref[...], (((1,), (0,)), ((), ())),
        preferred_element_type=jnp.float32,
    )
    y = y + b_ref[...]

    @pl.when(pl.program_id(0) == 0)
    def _():
        row = lax.broadcasted_iota(jnp.int32, y.shape, 0)
        out_ref[...] = jnp.where(row == 0, b_ref[...], y)

    @pl.when(pl.program_id(0) != 0)
    def _():
        out_ref[...] = y


def _project_table(table, Wt8, b8):
    V, D = table.shape
    grid = V // _BLK
    return pl.pallas_call(
        _proj_body,
        grid=(grid,),
        in_specs=[
            pl.BlockSpec((_BLK, D), lambda i: (i, 0)),
            pl.BlockSpec((D, _CP), lambda i: (0, 0)),
            pl.BlockSpec((1, _CP), lambda i: (0, 0)),
        ],
        out_specs=pl.BlockSpec((_BLK, _CP), lambda i: (i, 0)),
        out_shape=jax.ShapeDtypeStruct((V, _CP), jnp.float32),
    )(table, Wt8, b8)


@functools.lru_cache(maxsize=None)
def _make_gather(B):
    NC, NS = 2, 16
    NW = NC * NS
    assert B % NW == 0
    b_per_w = B // NW

    chunk = 3200
    nch = b_per_w // chunk
    assert b_per_w % chunk == 0

    mesh = plsc.VectorSubcoreMesh(core_axis_name="c", subcore_axis_name="s")

    @functools.partial(
        pl.kernel,
        mesh=mesh,
        out_type=jax.ShapeDtypeStruct((B, _CP), jnp.float32),
        scratch_types=[
            pltpu.VMEM((b_per_w,), jnp.int32),
            pltpu.VMEM((chunk, _CP), jnp.float32),
            pltpu.VMEM((chunk, _CP), jnp.float32),
            pltpu.SemaphoreType.DMA,
            pltpu.SemaphoreType.DMA,
        ],
        compiler_params=pltpu.CompilerParams(use_tc_tiling_on_sc=False),
    )
    def gather(proj_hbm, idx_hbm, out_hbm, idx_v, rows_a, rows_b, sem_a, sem_b):
        wid = lax.axis_index("s") * NC + lax.axis_index("c")
        base = wid * b_per_w
        pltpu.sync_copy(idx_hbm.at[pl.ds(base, b_per_w)], idx_v)
        bufs = ((rows_a, sem_a), (rows_b, sem_b))
        cp = [None, None]
        for k in range(nch):
            buf, sem = bufs[k % 2]
            cp[k % 2] = pltpu.async_copy(
                proj_hbm.at[idx_v.at[pl.ds(k * chunk, chunk)]], buf, sem)
            if k > 0:
                j = k - 1
                cp[j % 2].wait()
                pltpu.sync_copy(
                    bufs[j % 2][0], out_hbm.at[pl.ds(base + j * chunk, chunk)])
        j = nch - 1
        cp[j % 2].wait()
        pltpu.sync_copy(bufs[j % 2][0],
                        out_hbm.at[pl.ds(base + j * chunk, chunk)])

    return gather


def kernel(x, table, W, b):
    V, D = table.shape
    C = W.shape[0]
    xf = x.reshape(-1).astype(jnp.int32)
    tb16 = table.astype(jnp.bfloat16)
    Wt8 = jnp.zeros((D, _CP), jnp.bfloat16).at[:, :C].set(
        W.T.astype(jnp.bfloat16))
    b8 = jnp.zeros((1, _CP), jnp.float32).at[0, :C].set(b)
    proj = _project_table(tb16, Wt8, b8)
    out8 = _make_gather(xf.shape[0])(proj, xf)
    return out8[:, :C].reshape(*x.shape, C)

# --- scband reference (transcript-rebuilt; emitter-appended) ---
"""Pipeline reference for scband-one-layer-perceptron-35253091565675 (READ-ONLY COPY).

The authoritative reference and input builder live on the scoring server;
editing this copy changes nothing except your own understanding.
"""

import jax, jax.numpy as jnp
import numpy as np

NUM_EMBEDDINGS = 1000000
EMBEDDING_DIM = 32
NUM_CLASSES = 2

def setup_inputs(seed: int = 0) -> dict:
    key = jax.random.key(seed)
    k1, k2, k3, k4 = jax.random.split(key, 4)
    x = jax.random.randint(k1, (16384, 50), 0, NUM_EMBEDDINGS, dtype=jnp.int64 if jax.config.jax_enable_x64 else jnp.int32)
    table = jax.random.normal(k2, (NUM_EMBEDDINGS, EMBEDDING_DIM), dtype=jnp.float32)
    # padding_idx=0 -> row 0 is zeros
    table = table.at[0].set(0.0)
    W = jax.random.normal(k3, (NUM_CLASSES, EMBEDDING_DIM), dtype=jnp.float32) * (1.0 / np.sqrt(EMBEDDING_DIM))
    b = jax.random.normal(k4, (NUM_CLASSES,), dtype=jnp.float32) * 0.01
    return {"x": x, "table": table, "W": W, "b": b}

def reference(x, table, W, b):
    # nn.Embedding with padding_idx=0: row 0 is forced to zero
    emb_table = table.at[0].set(0.0)
    emb = jnp.take(emb_table, x, axis=0)  # [B, L, D]
    out = jnp.einsum('bld,cd->blc', emb, W) + b  # nn.Linear
    return out

if __name__ == "__main__":
    import jax
    _d = setup_inputs()
    print(jax.jit(kernel)(*tuple(_d.values())))

</pallas_src>

<mosaic_0001>
#map = affine_map<(d0, d1) -> (0, 0)>
#map1 = affine_map<(d0, d1) -> (0)>
module attributes {stable_mosaic.version = 14 : i64} {
  func.func @gather(%arg0: i32, %arg1: i32, %arg2: memref<1000000x8xf32, #tpu.memory_space<hbm>>, %arg3: memref<819200xi32, #tpu.memory_space<hbm>>, %arg4: memref<819200x8xf32, #tpu.memory_space<hbm>>, %arg5: memref<25600xi32, #tpu.memory_space<vmem>>, %arg6: memref<3200x8xf32, #tpu.memory_space<vmem>>, %arg7: memref<3200x8xf32, #tpu.memory_space<vmem>>, %arg8: memref<!tpu.dma_semaphore, #tpu.memory_space<semaphore_mem>>, %arg9: memref<!tpu.dma_semaphore, #tpu.memory_space<semaphore_mem>>) attributes {dimension_semantics = [#tpu.dimension_semantics<core_parallel>, #tpu.dimension_semantics<subcore_parallel>], iteration_bounds = array<i64: 2, 16>, scalar_prefetch = 0 : i64, scratch_operands = 5 : i64, tpu.core_type = #tpu.core_type<sc_vector_subcore>, window_params = [{transform_indices = #map}, {transform_indices = #map1}, {transform_indices = #map}]} {
    %mul3A = arith.constant 2 : i32
    %mul3A_0 = arith.muli %arg1, %mul3A : i32
    %add3A = arith.addi %mul3A_0, %arg0 : i32
    %mul3A_1 = arith.constant 25600 : i32
    %mul3A_2 = arith.muli %add3A, %mul3A_1 : i32
    "tpu.region"() ({
      %run_scoped3A = tpu.sem_alloc : memref<!tpu.dma_semaphore, #tpu.memory_space<semaphore_mem>>
      %dma_start3A_97 = tpu.memref_slice %arg3[%mul3A_2] : memref<819200xi32, #tpu.memory_space<hbm>> -> memref<25600xi32, #tpu.memory_space<hbm>>
      %dma_start3A_98 = tpu.memref_slice %arg3[%mul3A_2] : memref<819200xi32, #tpu.memory_space<hbm>> -> memref<25600xi32, #tpu.memory_space<hbm>>
      tpu.enqueue_dma source(%dma_start3A_98 : memref<25600xi32, #tpu.memory_space<hbm>>) target(%arg5 : memref<25600xi32, #tpu.memory_space<vmem>>) target_semaphore(%run_scoped3A : memref<!tpu.dma_semaphore, #tpu.memory_space<semaphore_mem>>)
      %dma_wait3A_99 = tpu.memref_slice %arg3[%mul3A_2] : memref<819200xi32, #tpu.memory_space<hbm>> -> memref<25600xi32, #tpu.memory_space<hbm>>
      %dma_wait3A_100 = tpu.memref_slice %arg3[%mul3A_2] : memref<819200xi32, #tpu.memory_space<hbm>> -> memref<25600xi32, #tpu.memory_space<hbm>>
      tpu.wait_dma2 semaphore(%run_scoped3A : memref<!tpu.dma_semaphore, #tpu.memory_space<semaphore_mem>>) src(%dma_wait3A_100 : memref<25600xi32, #tpu.memory_space<hbm>>) dst(%arg5 : memref<25600xi32, #tpu.memory_space<vmem>>)
      tpu.yield
    }) : () -> ()
    %dma_start3A = arith.constant 0 : i32
    %dma_start3A_3 = tpu.memref_slice %arg5[%dma_start3A] : memref<25600xi32, #tpu.memory_space<vmem>> -> memref<3200xi32, #tpu.memory_space<vmem>>
    %dma_start3A_4 = arith.constant 0 : i32
    %dma_start3A_5 = arith.constant 0 : i32
    %dma_start3A_6 = tpu.memref_slice %arg2[%dma_start3A_4, %dma_start3A_5] : memref<1000000x8xf32, #tpu.memory_space<hbm>> -> memref<1000000x8xf32, #tpu.memory_space<hbm>>
    tpu.enqueue_indirect_dma source(%dma_start3A_6 : memref<1000000x8xf32, #tpu.memory_space<hbm>>) target(%arg6 : memref<3200x8xf32, #tpu.memory_space<vmem>>) offsets(%dma_start3A_3 : memref<3200xi32, #tpu.memory_space<vmem>>) semaphore(%arg8 : memref<!tpu.dma_semaphore, #tpu.memory_space<semaphore_mem>>)
    %dma_start3A_7 = arith.constant 3200 : i32
    %dma_start3A_8 = tpu.memref_slice %arg5[%dma_start3A_7] : memref<25600xi32, #tpu.memory_space<vmem>> -> memref<3200xi32, #tpu.memory_space<vmem>>
    %dma_start3A_9 = arith.constant 0 : i32
    %dma_start3A_10 = arith.constant 0 : i32
    %dma_start3A_11 = tpu.memref_slice %arg2[%dma_start3A_9, %dma_start3A_10] : memref<1000000x8xf32, #tpu.memory_space<hbm>> -> memref<1000000x8xf32, #tpu.memory_space<hbm>>
    tpu.enqueue_indirect_dma source(%dma_start3A_11 : memref<1000000x8xf32, #tpu.memory_space<hbm>>) target(%arg7 : memref<3200x8xf32, #tpu.memory_space<vmem>>) offsets(%dma_start3A_8 : memref<3200xi32, #tpu.memory_space<vmem>>) semaphore(%arg9 : memref<!tpu.dma_semaphore, #tpu.memory_space<semaphore_mem>>)
    %dma_wait3A = arith.constant 0 : i32
    %dma_wait3A_12 = tpu.memref_slice %arg5[%dma_wait3A] : memref<25600xi32, #tpu.memory_space<vmem>> -> memref<3200xi32, #tpu.memory_space<vmem>>
    %dma_wait3A_13 = arith.constant 0 : i32
    %dma_wait3A_14 = arith.constant 0 : i32
    %dma_wait3A_15 = tpu.memref_slice %arg2[%dma_wait3A_13, %dma_wait3A_14] : memref<1000000x8xf32, #tpu.memory_space<hbm>> -> memref<1000000x8xf32, #tpu.memory_space<hbm>>
    tpu.wait_indirect_dma semaphore(%arg8 : memref<!tpu.dma_semaphore, #tpu.memory_space<semaphore_mem>>) src(%dma_wait3A_15 : memref<1000000x8xf32, #tpu.memory_space<hbm>>) dst(%arg6 : memref<3200x8xf32, #tpu.memory_space<vmem>>)
    %add3A_16 = arith.constant 0 : i32
    %add3A_17 = arith.addi %mul3A_2, %add3A_16 : i32
    "tpu.region"() ({
      %run_scoped3A = tpu.sem_alloc : memref<!tpu.dma_semaphore, #tpu.memory_space<semaphore_mem>>
      %dma_start3A_97 = arith.constant 0 : i32
      %dma_start3A_98 = tpu.memref_slice %arg4[%add3A_17, %dma_start3A_97] : memref<819200x8xf32, #tpu.memory_space<hbm>> -> memref<3200x8xf32, #tpu.memory_space<hbm>>
      %dma_start3A_99 = arith.constant 0 : i32
      %dma_start3A_100 = tpu.memref_slice %arg4[%add3A_17, %dma_start3A_99] : memref<819200x8xf32, #tpu.memory_space<hbm>> -> memref<3200x8xf32, #tpu.memory_space<hbm>>
      tpu.enqueue_dma source(%arg6 : memref<3200x8xf32, #tpu.memory_space<vmem>>) target(%dma_start3A_100 : memref<3200x8xf32, #tpu.memory_space<hbm>>) target_semaphore(%run_scoped3A : memref<!tpu.dma_semaphore, #tpu.memory_space<semaphore_mem>>)
      %dma_wait3A_101 = arith.constant 0 : i32
      %dma_wait3A_102 = tpu.memref_slice %arg4[%add3A_17, %dma_wait3A_101] : memref<819200x8xf32, #tpu.memory_space<hbm>> -> memref<3200x8xf32, #tpu.memory_space<hbm>>
      %dma_wait3A_103 = arith.constant 0 : i32
      %dma_wait3A_104 = tpu.memref_slice %arg4[%add3A_17, %dma_wait3A_103] : memref<819200x8xf32, #tpu.memory_space<hbm>> -> memref<3200x8xf32, #tpu.memory_space<hbm>>
      tpu.wait_dma2 semaphore(%run_scoped3A : memref<!tpu.dma_semaphore, #tpu.memory_space<semaphore_mem>>) src(%arg6 : memref<3200x8xf32, #tpu.memory_space<vmem>>) dst(%dma_wait3A_104 : memref<3200x8xf32, #tpu.memory_space<hbm>>)
      tpu.yield
    }) : () -> ()
    %dma_start3A_18 = arith.constant 6400 : i32
    %dma_start3A_19 = tpu.memref_slice %arg5[%dma_start3A_18] : memref<25600xi32, #tpu.memory_space<vmem>> -> memref<3200xi32, #tpu.memory_space<vmem>>
    %dma_start3A_20 = arith.constant 0 : i32
    %dma_start3A_21 = arith.constant 0 : i32
    %dma_start3A_22 = tpu.memref_slice %arg2[%dma_start3A_20, %dma_start3A_21] : memref<1000000x8xf32, #tpu.memory_space<hbm>> -> memref<1000000x8xf32, #tpu.memory_space<hbm>>
    tpu.enqueue_indirect_dma source(%dma_start3A_22 : memref<1000000x8xf32, #tpu.memory_space<hbm>>) target(%arg6 : memref<3200x8xf32, #tpu.memory_space<vmem>>) offsets(%dma_start3A_19 : memref<3200xi32, #tpu.memory_space<vmem>>) semaphore(%arg8 : memref<!tpu.dma_semaphore, #tpu.memory_space<semaphore_mem>>)
    %dma_wait3A_23 = arith.constant 3200 : i32
    %dma_wait3A_24 = tpu.memref_slice %arg5[%dma_wait3A_23] : memref<25600xi32, #tpu.memory_space<vmem>> -> memref<3200xi32, #tpu.memory_space<vmem>>
    %dma_wait3A_25 = arith.constant 0 : i32
    %dma_wait3A_26 = arith.constant 0 : i32
    %dma_wait3A_27 = tpu.memref_slice %arg2[%dma_wait3A_25, %dma_wait3A_26] : memref<1000000x8xf32, #tpu.memory_space<hbm>> -> memref<1000000x8xf32, #tpu.memory_space<hbm>>
    tpu.wait_indirect_dma semaphore(%arg9 : memref<!tpu.dma_semaphore, #tpu.memory_space<semaphore_mem>>) src(%dma_wait3A_27 : memref<1000000x8xf32, #tpu.memory_space<hbm>>) dst(%arg7 : memref<3200x8xf32, #tpu.memory_space<vmem>>)
    %add3A_28 = arith.constant 3200 : i32
    %add3A_29 = arith.addi %mul3A_2, %add3A_28 : i32
    "tpu.region"() ({
      %run_scoped3A = tpu.sem_alloc : memref<!tpu.dma_semaphore, #tpu.memory_space<semaphore_mem>>
      %dma_start3A_97 = arith.constant 0 : i32
      %dma_start3A_98 = tpu.memref_slice %arg4[%add3A_29, %dma_start3A_97] : memref<819200x8xf32, #tpu.memory_space<hbm>> -> memref<3200x8xf32, #tpu.memory_space<hbm>>
      %dma_start3A_99 = arith.constant 0 : i32
      %dma_start3A_100 = tpu.memref_slice %arg4[%add3A_29, %dma_start3A_99] : memref<819200x8xf32, #tpu.memory_space<hbm>> -> memref<3200x8xf32, #tpu.memory_space<hbm>>
      tpu.enqueue_dma source(%arg7 : memref<3200x8xf32, #tpu.memory_space<vmem>>) target(%dma_start3A_100 : memref<3200x8xf32, #tpu.memory_space<hbm>>) target_semaphore(%run_scoped3A : memref<!tpu.dma_semaphore, #tpu.memory_space<semaphore_mem>>)
      %dma_wait3A_101 = arith.constant 0 : i32
      %dma_wait3A_102 = tpu.memref_slice %arg4[%add3A_29, %dma_wait3A_101] : memref<819200x8xf32, #tpu.memory_space<hbm>> -> memref<3200x8xf32, #tpu.memory_space<hbm>>
      %dma_wait3A_103 = arith.constant 0 : i32
      %dma_wait3A_104 = tpu.memref_slice %arg4[%add3A_29, %dma_wait3A_103] : memref<819200x8xf32, #tpu.memory_space<hbm>> -> memref<3200x8xf32, #tpu.memory_space<hbm>>
      tpu.wait_dma2 semaphore(%run_scoped3A : memref<!tpu.dma_semaphore, #tpu.memory_space<semaphore_mem>>) src(%arg7 : memref<3200x8xf32, #tpu.memory_space<vmem>>) dst(%dma_wait3A_104 : memref<3200x8xf32, #tpu.memory_space<hbm>>)
      tpu.yield
    }) : () -> ()
    %dma_start3A_30 = arith.constant 9600 : i32
    %dma_start3A_31 = tpu.memref_slice %arg5[%dma_start3A_30] : memref<25600xi32, #tpu.memory_space<vmem>> -> memref<3200xi32, #tpu.memory_space<vmem>>
    %dma_start3A_32 = arith.constant 0 : i32
    %dma_start3A_33 = arith.constant 0 : i32
    %dma_start3A_34 = tpu.memref_slice %arg2[%dma_start3A_32, %dma_start3A_33] : memref<1000000x8xf32, #tpu.memory_space<hbm>> -> memref<1000000x8xf32, #tpu.memory_space<hbm>>
    tpu.enqueue_indirect_dma source(%dma_start3A_34 : memref<1000000x8xf32, #tpu.memory_space<hbm>>) target(%arg7 : memref<3200x8xf32, #tpu.memory_space<vmem>>) offsets(%dma_start3A_31 : memref<3200xi32, #tpu.memory_space<vmem>>) semaphore(%arg9 : memref<!tpu.dma_semaphore, #tpu.memory_space<semaphore_mem>>)
    %dma_wait3A_35 = arith.constant 6400 : i32
    %dma_wait3A_36 = tpu.memref_slice %arg5[%dma_wait3A_35] : memref<25600xi32, #tpu.memory_space<vmem>> -> memref<3200xi32, #tpu.memory_space<vmem>>
    %dma_wait3A_37 = arith.constant 0 : i32
    %dma_wait3A_38 = arith.constant 0 : i32
    %dma_wait3A_39 = tpu.memref_slice %arg2[%dma_wait3A_37, %dma_wait3A_38] : memref<1000000x8xf32, #tpu.memory_space<hbm>> -> memref<1000000x8xf32, #tpu.memory_space<hbm>>
    tpu.wait_indirect_dma semaphore(%arg8 : memref<!tpu.dma_semaphore, #tpu.memory_space<semaphore_mem>>) src(%dma_wait3A_39 : memref<1000000x8xf32, #tpu.memory_space<hbm>>) dst(%arg6 : memref<3200x8xf32, #tpu.memory_space<vmem>>)
    %add3A_40 = arith.constant 6400 : i32
    %add3A_41 = arith.addi %mul3A_2, %add3A_40 : i32
    "tpu.region"() ({
      %run_scoped3A = tpu.sem_alloc : memref<!tpu.dma_semaphore, #tpu.memory_space<semaphore_mem>>
      %dma_start3A_97 = arith.constant 0 : i32
      %dma_start3A_98 = tpu.memref_slice %arg4[%add3A_41, %dma_start3A_97] : memref<819200x8xf32, #tpu.memory_space<hbm>> -> memref<3200x8xf32, #tpu.memory_space<hbm>>
      %dma_start3A_99 = arith.constant 0 : i32
      %dma_start3A_100 = tpu.memref_slice %arg4[%add3A_41, %dma_start3A_99] : memref<819200x8xf32, #tpu.memory_space<hbm>> -> memref<3200x8xf32, #tpu.memory_space<hbm>>
      tpu.enqueue_dma source(%arg6 : memref<3200x8xf32, #tpu.memory_space<vmem>>) target(%dma_start3A_100 : memref<3200x8xf32, #tpu.memory_space<hbm>>) target_semaphore(%run_scoped3A : memref<!tpu.dma_semaphore, #tpu.memory_space<semaphore_mem>>)
      %dma_wait3A_101 = arith.constant 0 : i32
      %dma_wait3A_102 = tpu.memref_slice %arg4[%add3A_41, %dma_wait3A_101] : memref<819200x8xf32, #tpu.memory_space<hbm>> -> memref<3200x8xf32, #tpu.memory_space<hbm>>
      %dma_wait3A_103 = arith.constant 0 : i32
      %dma_wait3A_104 = tpu.memref_slice %arg4[%add3A_41, %dma_wait3A_103] : memref<819200x8xf32, #tpu.memory_space<hbm>> -> memref<3200x8xf32, #tpu.memory_space<hbm>>
      tpu.wait_dma2 semaphore(%run_scoped3A : memref<!tpu.dma_semaphore, #tpu.memory_space<semaphore_mem>>) src(%arg6 : memref<3200x8xf32, #tpu.memory_space<vmem>>) dst(%dma_wait3A_104 : memref<3200x8xf32, #tpu.memory_space<hbm>>)
      tpu.yield
    }) : () -> ()
    %dma_start3A_42 = arith.constant 12800 : i32
    %dma_start3A_43 = tpu.memref_slice %arg5[%dma_start3A_42] : memref<25600xi32, #tpu.memory_space<vmem>> -> memref<3200xi32, #tpu.memory_space<vmem>>
    %dma_start3A_44 = arith.constant 0 : i32
    %dma_start3A_45 = arith.constant 0 : i32
    %dma_start3A_46 = tpu.memref_slice %arg2[%dma_start3A_44, %dma_start3A_45] : memref<1000000x8xf32, #tpu.memory_space<hbm>> -> memref<1000000x8xf32, #tpu.memory_space<hbm>>
    tpu.enqueue_indirect_dma source(%dma_start3A_46 : memref<1000000x8xf32, #tpu.memory_space<hbm>>) target(%arg6 : memref<3200x8xf32, #tpu.memory_space<vmem>>) offsets(%dma_start3A_43 : memref<3200xi32, #tpu.memory_space<vmem>>) semaphore(%arg8 : memref<!tpu.dma_semaphore, #tpu.memory_space<semaphore_mem>>)
    %dma_wait3A_47 = arith.constant 9600 : i32
    %dma_wait3A_48 = tpu.memref_slice %arg5[%dma_wait3A_47] : memref<25600xi32, #tpu.memory_space<vmem>> -> memref<3200xi32, #tpu.memory_space<vmem>>
    %dma_wait3A_49 = arith.constant 0 : i32
    %dma_wait3A_50 = arith.constant 0 : i32
    %dma_wait3A_51 = tpu.memref_slice %arg2[%dma_wait3A_49, %dma_wait3A_50] : memref<1000000x8xf32, #tpu.memory_space<hbm>> -> memref<1000000x8xf32, #tpu.memory_space<hbm>>
    tpu.wait_indirect_dma semaphore(%arg9 : memref<!tpu.dma_semaphore, #tpu.memory_space<semaphore_mem>>) src(%dma_wait3A_51 : memref<1000000x8xf32, #tpu.memory_space<hbm>>) dst(%arg7 : memref<3200x8xf32, #tpu.memory_space<vmem>>)
    %add3A_52 = arith.constant 9600 : i32
    %add3A_53 = arith.addi %mul3A_2, %add3A_52 : i32
    "tpu.region"() ({
      %run_scoped3A = tpu.sem_alloc : memref<!tpu.dma_semaphore, #tpu.memory_space<semaphore_mem>>
      %dma_start3A_97 = arith.constant 0 : i32
      %dma_start3A_98 = tpu.memref_slice %arg4[%add3A_53, %dma_start3A_97] : memref<819200x8xf32, #tpu.memory_space<hbm>> -> memref<3200x8xf32, #tpu.memory_space<hbm>>
      %dma_start3A_99 = arith.constant 0 : i32
      %dma_start3A_100 = tpu.memref_slice %arg4[%add3A_53, %dma_start3A_99] : memref<819200x8xf32, #tpu.memory_space<hbm>> -> memref<3200x8xf32, #tpu.memory_space<hbm>>
      tpu.enqueue_dma source(%arg7 : memref<3200x8xf32, #tpu.memory_space<vmem>>) target(%dma_start3A_100 : memref<3200x8xf32, #tpu.memory_space<hbm>>) target_semaphore(%run_scoped3A : memref<!tpu.dma_semaphore, #tpu.memory_space<semaphore_mem>>)
      %dma_wait3A_101 = arith.constant 0 : i32
      %dma_wait3A_102 = tpu.memref_slice %arg4[%add3A_53, %dma_wait3A_101] : memref<819200x8xf32, #tpu.memory_space<hbm>> -> memref<3200x8xf32, #tpu.memory_space<hbm>>
      %dma_wait3A_103 = arith.constant 0 : i32
      %dma_wait3A_104 = tpu.memref_slice %arg4[%add3A_53, %dma_wait3A_103] : memref<819200x8xf32, #tpu.memory_space<hbm>> -> memref<3200x8xf32, #tpu.memory_space<hbm>>
      tpu.wait_dma2 semaphore(%run_scoped3A : memref<!tpu.dma_semaphore, #tpu.memory_space<semaphore_mem>>) src(%arg7 : memref<3200x8xf32, #tpu.memory_space<vmem>>) dst(%dma_wait3A_104 : memref<3200x8xf32, #tpu.memory_space<hbm>>)
      tpu.yield
    }) : () -> ()
    %dma_start3A_54 = arith.constant 16000 : i32
    %dma_start3A_55 = tpu.memref_slice %arg5[%dma_start3A_54] : memref<25600xi32, #tpu.memory_space<vmem>> -> memref<3200xi32, #tpu.memory_space<vmem>>
    %dma_start3A_56 = arith.constant 0 : i32
    %dma_start3A_57 = arith.constant 0 : i32
    %dma_start3A_58 = tpu.memref_slice %arg2[%dma_start3A_56, %dma_start3A_57] : memref<1000000x8xf32, #tpu.memory_space<hbm>> -> memref<1000000x8xf32, #tpu.memory_space<hbm>>
    tpu.enqueue_indirect_dma source(%dma_start3A_58 : memref<1000000x8xf32, #tpu.memory_space<hbm>>) target(%arg7 : memref<3200x8xf32, #tpu.memory_space<vmem>>) offsets(%dma_start3A_55 : memref<3200xi32, #tpu.memory_space<vmem>>) semaphore(%arg9 : memref<!tpu.dma_semaphore, #tpu.memory_space<semaphore_mem>>)
    %dma_wait3A_59 = arith.constant 12800 : i32
    %dma_wait3A_60 = tpu.memref_slice %arg5[%dma_wait3A_59] : memref<25600xi32, #tpu.memory_space<vmem>> -> memref<3200xi32, #tpu.memory_space<vmem>>
    %dma_wait3A_61 = arith.constant 0 : i32
    %dma_wait3A_62 = arith.constant 0 : i32
    %dma_wait3A_63 = tpu.memref_slice %arg2[%dma_wait3A_61, %dma_wait3A_62] : memref<1000000x8xf32, #tpu.memory_space<hbm>> -> memref<1000000x8xf32, #tpu.memory_space<hbm>>
    tpu.wait_indirect_dma semaphore(%arg8 : memref<!tpu.dma_semaphore, #tpu.memory_space<semaphore_mem>>) src(%dma_wait3A_63 : memref<1000000x8xf32, #tpu.memory_space<hbm>>) dst(%arg6 : memref<3200x8xf32, #tpu.memory_space<vmem>>)
    %add3A_64 = arith.constant 12800 : i32
    %add3A_65 = arith.addi %mul3A_2, %add3A_64 : i32
    "tpu.region"() ({
      %run_scoped3A = tpu.sem_alloc : memref<!tpu.dma_semaphore, #tpu.memory_space<semaphore_mem>>
      %dma_start3A_97 = arith.constant 0 : i32
      %dma_start3A_98 = tpu.memref_slice %arg4[%add3A_65, %dma_start3A_97] : memref<819200x8xf32, #tpu.memory_space<hbm>> -> memref<3200x8xf32, #tpu.memory_space<hbm>>
      %dma_start3A_99 = arith.constant 0 : i32
      %dma_start3A_100 = tpu.memref_slice %arg4[%add3A_65, %dma_start3A_99] : memref<819200x8xf32, #tpu.memory_space<hbm>> -> memref<3200x8xf32, #tpu.memory_space<hbm>>
      tpu.enqueue_dma source(%arg6 : memref<3200x8xf32, #tpu.memory_space<vmem>>) target(%dma_start3A_100 : memref<3200x8xf32, #tpu.memory_space<hbm>>) target_semaphore(%run_scoped3A : memref<!tpu.dma_semaphore, #tpu.memory_space<semaphore_mem>>)
      %dma_wait3A_101 = arith.constant 0 : i32
      %dma_wait3A_102 = tpu.memref_slice %arg4[%add3A_65, %dma_wait3A_101] : memref<819200x8xf32, #tpu.memory_space<hbm>> -> memref<3200x8xf32, #tpu.memory_space<hbm>>
      %dma_wait3A_103 = arith.constant 0 : i32
      %dma_wait3A_104 = tpu.memref_slice %arg4[%add3A_65, %dma_wait3A_103] : memref<819200x8xf32, #tpu.memory_space<hbm>> -> memref<3200x8xf32, #tpu.memory_space<hbm>>
      tpu.wait_dma2 semaphore(%run_scoped3A : memref<!tpu.dma_semaphore, #tpu.memory_space<semaphore_mem>>) src(%arg6 : memref<3200x8xf32, #tpu.memory_space<vmem>>) dst(%dma_wait3A_104 : memref<3200x8xf32, #tpu.memory_space<hbm>>)
      tpu.yield
    }) : () -> ()
    %dma_start3A_66 = arith.constant 19200 : i32
    %dma_start3A_67 = tpu.memref_slice %arg5[%dma_start3A_66] : memref<25600xi32, #tpu.memory_space<vmem>> -> memref<3200xi32, #tpu.memory_space<vmem>>
    %dma_start3A_68 = arith.constant 0 : i32
    %dma_start3A_69 = arith.constant 0 : i32
    %dma_start3A_70 = tpu.memref_slice %arg2[%dma_start3A_68, %dma_start3A_69] : memref<1000000x8xf32, #tpu.memory_space<hbm>> -> memref<1000000x8xf32, #tpu.memory_space<hbm>>
    tpu.enqueue_indirect_dma source(%dma_start3A_70 : memref<1000000x8xf32, #tpu.memory_space<hbm>>) target(%arg6 : memref<3200x8xf32, #tpu.memory_space<vmem>>) offsets(%dma_start3A_67 : memref<3200xi32, #tpu.memory_space<vmem>>) semaphore(%arg8 : memref<!tpu.dma_semaphore, #tpu.memory_space<semaphore_mem>>)
    %dma_wait3A_71 = arith.constant 16000 : i32
    %dma_wait3A_72 = tpu.memref_slice %arg5[%dma_wait3A_71] : memref<25600xi32, #tpu.memory_space<vmem>> -> memref<3200xi32, #tpu.memory_space<vmem>>
    %dma_wait3A_73 = arith.constant 0 : i32
    %dma_wait3A_74 = arith.constant 0 : i32
    %dma_wait3A_75 = tpu.memref_slice %arg2[%dma_wait3A_73, %dma_wait3A_74] : memref<1000000x8xf32, #tpu.memory_space<hbm>> -> memref<1000000x8xf32, #tpu.memory_space<hbm>>
    tpu.wait_indirect_dma semaphore(%arg9 : memref<!tpu.dma_semaphore, #tpu.memory_space<semaphore_mem>>) src(%dma_wait3A_75 : memref<1000000x8xf32, #tpu.memory_space<hbm>>) dst(%arg7 : memref<3200x8xf32, #tpu.memory_space<vmem>>)
    %add3A_76 = arith.constant 16000 : i32
    %add3A_77 = arith.addi %mul3A_2, %add3A_76 : i32
    "tpu.region"() ({
      %run_scoped3A = tpu.sem_alloc : memref<!tpu.dma_semaphore, #tpu.memory_space<semaphore_mem>>
      %dma_start3A_97 = arith.constant 0 : i32
      %dma_start3A_98 = tpu.memref_slice %arg4[%add3A_77, %dma_start3A_97] : memref<819200x8xf32, #tpu.memory_space<hbm>> -> memref<3200x8xf32, #tpu.memory_space<hbm>>
      %dma_start3A_99 = arith.constant 0 : i32
      %dma_start3A_100 = tpu.memref_slice %arg4[%add3A_77, %dma_start3A_99] : memref<819200x8xf32, #tpu.memory_space<hbm>> -> memref<3200x8xf32, #tpu.memory_space<hbm>>
      tpu.enqueue_dma source(%arg7 : memref<3200x8xf32, #tpu.memory_space<vmem>>) target(%dma_start3A_100 : memref<3200x8xf32, #tpu.memory_space<hbm>>) target_semaphore(%run_scoped3A : memref<!tpu.dma_semaphore, #tpu.memory_space<semaphore_mem>>)
      %dma_wait3A_101 = arith.constant 0 : i32
      %dma_wait3A_102 = tpu.memref_slice %arg4[%add3A_77, %dma_wait3A_101] : memref<819200x8xf32, #tpu.memory_space<hbm>> -> memref<3200x8xf32, #tpu.memory_space<hbm>>
      %dma_wait3A_103 = arith.constant 0 : i32
      %dma_wait3A_104 = tpu.memref_slice %arg4[%add3A_77, %dma_wait3A_103] : memref<819200x8xf32, #tpu.memory_space<hbm>> -> memref<3200x8xf32, #tpu.memory_space<hbm>>
      tpu.wait_dma2 semaphore(%run_scoped3A : memref<!tpu.dma_semaphore, #tpu.memory_space<semaphore_mem>>) src(%arg7 : memref<3200x8xf32, #tpu.memory_space<vmem>>) dst(%dma_wait3A_104 : memref<3200x8xf32, #tpu.memory_space<hbm>>)
      tpu.yield
    }) : () -> ()
    %dma_start3A_78 = arith.constant 22400 : i32
    %dma_start3A_79 = tpu.memref_slice %arg5[%dma_start3A_78] : memref<25600xi32, #tpu.memory_space<vmem>> -> memref<3200xi32, #tpu.memory_space<vmem>>
    %dma_start3A_80 = arith.constant 0 : i32
    %dma_start3A_81 = arith.constant 0 : i32
    %dma_start3A_82 = tpu.memref_slice %arg2[%dma_start3A_80, %dma_start3A_81] : memref<1000000x8xf32, #tpu.memory_space<hbm>> -> memref<1000000x8xf32, #tpu.memory_space<hbm>>
    tpu.enqueue_indirect_dma source(%dma_start3A_82 : memref<1000000x8xf32, #tpu.memory_space<hbm>>) target(%arg7 : memref<3200x8xf32, #tpu.memory_space<vmem>>) offsets(%dma_start3A_79 : memref<3200xi32, #tpu.memory_space<vmem>>) semaphore(%arg9 : memref<!tpu.dma_semaphore, #tpu.memory_space<semaphore_mem>>)
    %dma_wait3A_83 = arith.constant 19200 : i32
    %dma_wait3A_84 = tpu.memref_slice %arg5[%dma_wait3A_83] : memref<25600xi32, #tpu.memory_space<vmem>> -> memref<3200xi32, #tpu.memory_space<vmem>>
    %dma_wait3A_85 = arith.constant 0 : i32
    %dma_wait3A_86 = arith.constant 0 : i32
    %dma_wait3A_87 = tpu.memref_slice %arg2[%dma_wait3A_85, %dma_wait3A_86] : memref<1000000x8xf32, #tpu.memory_space<hbm>> -> memref<1000000x8xf32, #tpu.memory_space<hbm>>
    tpu.wait_indirect_dma semaphore(%arg8 : memref<!tpu.dma_semaphore, #tpu.memory_space<semaphore_mem>>) src(%dma_wait3A_87 : memref<1000000x8xf32, #tpu.memory_space<hbm>>) dst(%arg6 : memref<3200x8xf32, #tpu.memory_space<vmem>>)
    %add3A_88 = arith.constant 19200 : i32
    %add3A_89 = arith.addi %mul3A_2, %add3A_88 : i32
    "tpu.region"() ({
      %run_scoped3A = tpu.sem_alloc : memref<!tpu.dma_semaphore, #tpu.memory_space<semaphore_mem>>
      %dma_start3A_97 = arith.constant 0 : i32
      %dma_start3A_98 = tpu.memref_slice %arg4[%add3A_89, %dma_start3A_97] : memref<819200x8xf32, #tpu.memory_space<hbm>> -> memref<3200x8xf32, #tpu.memory_space<hbm>>
      %dma_start3A_99 = arith.constant 0 : i32
      %dma_start3A_100 = tpu.memref_slice %arg4[%add3A_89, %dma_start3A_99] : memref<819200x8xf32, #tpu.memory_space<hbm>> -> memref<3200x8xf32, #tpu.memory_space<hbm>>
      tpu.enqueue_dma source(%arg6 : memref<3200x8xf32, #tpu.memory_space<vmem>>) target(%dma_start3A_100 : memref<3200x8xf32, #tpu.memory_space<hbm>>) target_semaphore(%run_scoped3A : memref<!tpu.dma_semaphore, #tpu.memory_space<semaphore_mem>>)
      %dma_wait3A_101 = arith.constant 0 : i32
      %dma_wait3A_102 = tpu.memref_slice %arg4[%add3A_89, %dma_wait3A_101] : memref<819200x8xf32, #tpu.memory_space<hbm>> -> memref<3200x8xf32, #tpu.memory_space<hbm>>
      %dma_wait3A_103 = arith.constant 0 : i32
      %dma_wait3A_104 = tpu.memref_slice %arg4[%add3A_89, %dma_wait3A_103] : memref<819200x8xf32, #tpu.memory_space<hbm>> -> memref<3200x8xf32, #tpu.memory_space<hbm>>
      tpu.wait_dma2 semaphore(%run_scoped3A : memref<!tpu.dma_semaphore, #tpu.memory_space<semaphore_mem>>) src(%arg6 : memref<3200x8xf32, #tpu.memory_space<vmem>>) dst(%dma_wait3A_104 : memref<3200x8xf32, #tpu.memory_space<hbm>>)
      tpu.yield
    }) : () -> ()
    %dma_wait3A_90 = arith.constant 22400 : i32
    %dma_wait3A_91 = tpu.memref_slice %arg5[%dma_wait3A_90] : memref<25600xi32, #tpu.memory_space<vmem>> -> memref<3200xi32, #tpu.memory_space<vmem>>
    %dma_wait3A_92 = arith.constant 0 : i32
    %dma_wait3A_93 = arith.constant 0 : i32
    %dma_wait3A_94 = tpu.memref_slice %arg2[%dma_wait3A_92, %dma_wait3A_93] : memref<1000000x8xf32, #tpu.memory_space<hbm>> -> memref<1000000x8xf32, #tpu.memory_space<hbm>>
    tpu.wait_indirect_dma semaphore(%arg9 : memref<!tpu.dma_semaphore, #tpu.memory_space<semaphore_mem>>) src(%dma_wait3A_94 : memref<1000000x8xf32, #tpu.memory_space<hbm>>) dst(%arg7 : memref<3200x8xf32, #tpu.memory_space<vmem>>)
    %add3A_95 = arith.constant 22400 : i32
    %add3A_96 = arith.addi %mul3A_2, %add3A_95 : i32
    "tpu.region"() ({
      %run_scoped3A = tpu.sem_alloc : memref<!tpu.dma_semaphore, #tpu.memory_space<semaphore_mem>>
      %dma_start3A_97 = arith.constant 0 : i32
      %dma_start3A_98 = tpu.memref_slice %arg4[%add3A_96, %dma_start3A_97] : memref<819200x8xf32, #tpu.memory_space<hbm>> -> memref<3200x8xf32, #tpu.memory_space<hbm>>
      %dma_start3A_99 = arith.constant 0 : i32
      %dma_start3A_100 = tpu.memref_slice %arg4[%add3A_96, %dma_start3A_99] : memref<819200x8xf32, #tpu.memory_space<hbm>> -> memref<3200x8xf32, #tpu.memory_space<hbm>>
      tpu.enqueue_dma source(%arg7 : memref<3200x8xf32, #tpu.memory_space<vmem>>) target(%dma_start3A_100 : memref<3200x8xf32, #tpu.memory_space<hbm>>) target_semaphore(%run_scoped3A : memref<!tpu.dma_semaphore, #tpu.memory_space<semaphore_mem>>)
      %dma_wait3A_101 = arith.constant 0 : i32
      %dma_wait3A_102 = tpu.memref_slice %arg4[%add3A_96, %dma_wait3A_101] : memref<819200x8xf32, #tpu.memory_space<hbm>> -> memref<3200x8xf32, #tpu.memory_space<hbm>>
      %dma_wait3A_103 = arith.constant 0 : i32
      %dma_wait3A_104 = tpu.memref_slice %arg4[%add3A_96, %dma_wait3A_103] : memref<819200x8xf32, #tpu.memory_space<hbm>> -> memref<3200x8xf32, #tpu.memory_space<hbm>>
      tpu.wait_dma2 semaphore(%run_scoped3A : memref<!tpu.dma_semaphore, #tpu.memory_space<semaphore_mem>>) src(%arg7 : memref<3200x8xf32, #tpu.memory_space<vmem>>) dst(%dma_wait3A_104 : memref<3200x8xf32, #tpu.memory_space<hbm>>)
      tpu.yield
    }) : () -> ()
    return
  }
}

module attributes {stable_mosaic.version = 14 : i64} {
  func.func @_proj_body(%arg0: i32, %arg1: memref<8000x32xbf16, #tpu.memory_space<vmem>>, %arg2: memref<32x8xbf16, #tpu.memory_space<vmem>>, %arg3: memref<1x8xf32, #tpu.memory_space<vmem>>, %arg4: memref<8000x8xf32, #tpu.memory_space<vmem>>) attributes {dimension_semantics = [#tpu.dimension_semantics<arbitrary>], iteration_bounds = array<i64: 125>, scalar_prefetch = 0 : i64, scratch_operands = 0 : i64, tpu.core_type = #tpu.core_type<tc>, window_params = [{transform_indices = @transform_0, window_bounds = array<i64: 8000, 32>}, {pipeline_mode = #tpu.pipeline_mode<synchronous>, transform_indices = @transform_1, window_bounds = array<i64: 32, 8>}, {pipeline_mode = #tpu.pipeline_mode<synchronous>, transform_indices = @transform_2, window_bounds = array<i64: 1, 8>}, {transform_indices = @transform_3, window_bounds = array<i64: 8000, 8>}]} {
    %get3A = arith.constant 0 : index
    %get3A_0 = arith.constant 0 : index
    %get3A_1 = vector.load %arg1[%get3A, %get3A_0] : memref<8000x32xbf16, #tpu.memory_space<vmem>>, vector<8000x32xbf16>
    %get3A_2 = arith.constant 0 : index
    %get3A_3 = arith.constant 0 : index
    %get3A_4 = vector.load %arg2[%get3A_2, %get3A_3] : memref<32x8xbf16, #tpu.memory_space<vmem>>, vector<32x8xbf16>
    %dot_general3A = arith.constant dense<0.000000e+00> : vector<8000x8xf32>
    %dot_general3A_5 = tpu.matmul %get3A_1, %get3A_4, %dot_general3A {dimension_numbers = #tpu.dot_dimension_numbers<[1], [0], [0], [1], [0, 0, 1, 1], [], []>, transpose_lhs_hint = false} : vector<8000x32xbf16>, vector<32x8xbf16>, vector<8000x8xf32> -> vector<8000x8xf32>
    %get3A_6 = arith.constant 0 : index
    %get3A_7 = arith.constant 0 : index
    %get3A_8 = vector.load %arg3[%get3A_6, %get3A_7] : memref<1x8xf32, #tpu.memory_space<vmem>>, vector<1x8xf32>
    %add3A = vector.broadcast %get3A_8 : vector<1x8xf32> to vector<8000x8xf32>
    %add3A_9 = arith.addf %dot_general3A_5, %add3A : vector<8000x8xf32>
    %eq3A = arith.constant 0 : i32
    %eq3A_10 = arith.cmpi eq, %arg0, %eq3A : i32
    %convert_element_type3A = arith.extui %eq3A_10 : i1 to i32
    %cond3A = arith.constant 0 : i32
    %cond3A_11 = arith.cmpi ne, %convert_element_type3A, %cond3A : i32
    scf.if %cond3A_11 {
      %iota3A = tpu.iota {dimensions = array<i32: 0>} : vector<8000x8xi32>
      %eq3A_16 = arith.constant 0 : i32
      %eq3A_17 = vector.broadcast %eq3A_16 : i32 to vector<8000x8xi32>
      %eq3A_18 = arith.cmpi eq, %iota3A, %eq3A_17 : vector<8000x8xi32>
      %get3A_19 = arith.constant 0 : index
      %get3A_20 = arith.constant 0 : index
      %get3A_21 = vector.load %arg3[%get3A_19, %get3A_20] : memref<1x8xf32, #tpu.memory_space<vmem>>, vector<1x8xf32>
      %broadcast_in_dim3A = vector.shape_cast %get3A_21 : vector<1x8xf32> to vector<1x8xf32>
      %broadcast_in_dim3A_22 = vector.broadcast %broadcast_in_dim3A : vector<1x8xf32> to vector<8000x8xf32>
      %select_n3A = arith.select %eq3A_18, %broadcast_in_dim3A_22, %add3A_9 : vector<8000x8xi1>, vector<8000x8xf32>
      %swap3A = arith.constant 0 : index
      %swap3A_23 = arith.constant 0 : index
      %swap3A_24 = vector.load %arg4[%swap3A, %swap3A_23] : memref<8000x8xf32, #tpu.memory_space<vmem>>, vector<8000x8xf32>
      tpu.vector_store %arg4[%swap3A, %swap3A_23], %select_n3A {strides = array<i32>} : memref<8000x8xf32, #tpu.memory_space<vmem>>, vector<8000x8xf32>,
    } else {
    }
    %ne3A = arith.constant 0 : i32
    %ne3A_12 = arith.cmpi ne, %arg0, %ne3A : i32
    %convert_element_type3A_13 = arith.extui %ne3A_12 : i1 to i32
    %cond3A_14 = arith.constant 0 : i32
    %cond3A_15 = arith.cmpi ne, %convert_element_type3A_13, %cond3A_14 : i32
    scf.if %cond3A_15 {
      %swap3A = arith.constant 0 : index
      %swap3A_16 = arith.constant 0 : index
      %swap3A_17 = vector.load %arg4[%swap3A, %swap3A_16] : memref<8000x8xf32, #tpu.memory_space<vmem>>, vector<8000x8xf32>
      tpu.vector_store %arg4[%swap3A, %swap3A_16], %add3A_9 {strides = array<i32>} : memref<8000x8xf32, #tpu.memory_space<vmem>>, vector<8000x8xf32>,
    } else {
    }
    return
  }
  func.func @transform_0(%arg0: i32) -> (i32, i32) {
    %c0_i32 = arith.constant 0 : i32
    %c0_i32_0 = arith.constant 0 : i32
    return %arg0, %c0_i32 : i32, i32
  }
  func.func @transform_1(%arg0: i32) -> (i32, i32) {
    %c0_i32 = arith.constant 0 : i32
    %c0_i32_0 = arith.constant 0 : i32
    %c0_i32_1 = arith.constant 0 : i32
    return %c0_i32, %c0_i32_0 : i32, i32
  }
  func.func @transform_2(%arg0: i32) -> (i32, i32) {
    %c0_i32 = arith.constant 0 : i32
    %c0_i32_0 = arith.constant 0 : i32
    %c0_i32_1 = arith.constant 0 : i32
    return %c0_i32, %c0_i32_0 : i32, i32
  }
  func.func @transform_3(%arg0: i32) -> (i32, i32) {
    %c0_i32 = arith.constant 0 : i32
    %c0_i32_0 = arith.constant 0 : i32
    return %arg0, %c0_i32 : i32, i32
  }
}

</mosaic_0001>

<sc_bundles>
// kernel: kernel.4.cloned.1.call-start
scs
__scs_entry_jumppad:
0x0: {  	(pc) =	sbr.rel $0x88, $3  }
0x1: {  	(tag) =	ssettag $0x0;
	lr =	simm.s32 $0x1  }
0x2: {  	[smem:$0x3F9D] =	sst lr;
	_ =	strace $0xD0000000  }
0x3: {  	_ = 	snop  }
0x4: {  	_ = 	snop  }
0x5: {  	_ = 	snop  }
0x6: {  	_ = 	snop  }
0x7: {  	_ = 	snop  }
__scs_overlays_trampoline_lowered:
0x8: {  	[smem:$0x3FAC] =	sst s0  }
0x9: {  	[smem:$0x3FAD] =	sst s1  }
0xa: {  	[smem:$0x3FAE] =	sst s2  }
0xb: {  	[smem:$0x3FAF] =	sst s3  }
0xc: {  	[smem:$0x3FB0] =	sst s4  }
0xd: {  	[smem:$0x3FB1] =	sst s5  }
0xe: {  	[smem:$0x3FB2] =	sst s6  }
0xf: {  	[smem:$0x3FB3] =	sst s7  }
0x10: {  	[smem:$0x3FB4] =	sst s8  }
0x11: {  	[smem:$0x3FB5] =	sst s9;
	s0 =	simm.s32 @!p0 $0x0  }
0x12: {  	s1 =	sld [smem:$0x3F9B];
	s0 =	simm.s32 @p0 $0x1  }
0x13: {  	[smem:$0x3FB6] =	sst s0;
	s0 =	simm.s32 @!p1 $0x0  }
0x14: {  	s2 =	sld [smem:$0x3F9A];
	s0 =	simm.s32 @p1 $0x1  }
0x15: {  	[smem:$0x3FB7] =	sst s0;
	s0 =	simm.s32 @!p2 $0x0  }
0x16: {  	s3 =	sld [smem:$0x3FDB];
	s0 =	simm.s32 @p2 $0x1  }
0x17: {  	s4 =	simm.s32 $0x1BF5;
	[smem:$0x3FB9] =	sst s0  }
0x18: {  	s0 =	sld [smem:$0x3F9C];
	_ =	swait.ge [sflag:s4], $0x0  }
0x19: {  	s7 =	sld [smem:$0x3F9D]  }
0x1a: {  	s8 =	sadd.s32 $0xFFFFE003, lr  }
0x1b: {  	s9 =	sadd.s32 $0xFFFFFEF7, lr;
	s5 =	simm.s32 $0xFFFFFFFF;
	p2 =	slt.u32 s8, $0xFFFFF086  }
0x1c: {  	p1 =	slt.u32 s9, $0xF7A;
	s5 =	simm.s32 @!p2 $0x0  }
0x1d: {  	s5 =	simm.s32 @p1 $0x1;
	p0 =	seq.s32 s7, s2  }
0x1e: {  	s7 =	smul.u32 @!p0 $0xF7A, s2;
	p2 =	seq.s32 @!p0 s5, $0x0  }
0x1f: {  	s9 =	smul.u32 $0xF7A, s1;
	s8 =	simm.s32 @!p0 $0x1BF5;
	p2 =	por !p2, p0  }
0x20: {  	[sflag:s8] =	ssyncset.s32 @!p0 $0xFFFFF086;
	s6 =	sadd.s32 @!p0 s3, s7;
	s7 =	simm.s32 @!p0 $0x108  }
0x21: {  	s3 =	sadd.s32 s3, s9;
	s6 =	sadd.s32 @!p0 $0x88, s6;
	s7 =	simm.s32 @p2 $0x1082  }
0x22: {  	[simem:s7], [sflag:s8] =	dma.local @!p0 [hbm:s6], $0xF7A  }
0x23: {  	s9 =	sor.u32 $0xD0000000, s2;
	s6 =	simm.s32 $0x108;
	_ =	swait.ge @!p0 [sflag:s8], $0x0  }
0x24: {  	s3 =	sadd.s32 $0x88, s3;
	s6 =	simm.s32 @!p1 $0x1082;
	[sflag:s4] =	ssyncset.s32 $0xFFFFF086  }
0x25: {  	[simem:s6], [sflag:s4] =	dma.local [hbm:s3], $0xF7A  }
0x26: {  	[smem:$0x3F9D] =	sst s1;
	(tag) =	ssettag s2;
	_ =	strace s9  }
0x27: {  	s1 =	sld [smem:$0x3FAD]  }
0x28: {  	s2 =	sld [smem:$0x3FAE]  }
0x29: {  	s4 =	sld [smem:$0x3FB0]  }
0x2a: {  	p0 =	seq.s32 s5, $0x0;
	s5 =	sld [smem:$0x3FB1]  }
0x2b: {  	s6 =	sld [smem:$0x3FB2]  }
0x2c: {  	s7 =	sld [smem:$0x3FB3]  }
0x2d: {  	s3 =	simm.s32 $0x108;
	s8 =	sld [smem:$0x3FB4]  }
0x2e: {  	s3 =	simm.s32 @!p0 $0x1082;
	s9 =	sld [smem:$0x3FB5]  }
0x2f: {  	lr =	sadd.s32 s0, s3;
	s0 =	sld [smem:$0x3FAC]  }
0x30: {  	s3 =	sld [smem:$0x3FAF]  }
0x31: {  	[smem:$0x3FB8] =	sst s10  }
0x32: {  	s10 =	sld [smem:$0x3FB6];
	_ =	sdelay $0x3  }
0x33: {  	p0 =	seq.s32 s10, $0x1;
	s10 =	sld [smem:$0x3FB8];
	_ =	sdelay $0x3  }
0x34: {  	[smem:$0x3FB8] =	sst s10  }
0x35: {  	s10 =	sld [smem:$0x3FB7];
	_ =	sdelay $0x3  }
0x36: {  	p1 =	seq.s32 s10, $0x1;
	s10 =	sld [smem:$0x3FB8];
	_ =	sdelay $0x3  }
0x37: {  	[smem:$0x3FB8] =	sst s10  }
0x38: {  	s10 =	sld [smem:$0x3FB9]  }
0x39: {  	_ = 	snop;
	(pc) =	sbr.ind lr, $3  }
0x3a: {  	_ = 	snop  }
0x3b: {  	_ = 	snop  }
0x3c: {  	p2 =	seq.s32 s10, $0x1;
	s10 =	sld [smem:$0x3FB8]  }
0x3d: {  	_ =	shalt  }
0x3e: {  	_ =	shalt  }
0x3f: {  	_ =	shalt  }
0x40: {  	_ =	shalt  }
0x41: {  	_ =	shalt  }
0x42: {  	_ =	shalt  }
0x43: {  	_ =	shalt  }
0x44: {  	_ =	shalt  }
0x45: {  	_ =	shalt  }
0x46: {  	_ =	shalt  }
0x47: {  	_ =	shalt  }
0x48: {  	_ =	shalt  }
0x49: {  	_ =	shalt  }
0x4a: {  	_ =	shalt  }
0x4b: {  	_ =	shalt  }
0x4c: {  	_ =	shalt  }
0x4d: {  	_ =	shalt  }
0x4e: {  	_ =	shalt  }
0x4f: {  	_ =	shalt  }
0x50: {  	_ =	shalt  }
0x51: {  	_ =	shalt  }
0x52: {  	_ =	shalt  }
0x53: {  	_ =	shalt  }
0x54: {  	_ =	shalt  }
0x55: {  	_ =	shalt  }
0x56: {  	_ =	shalt  }
0x57: {  	_ =	shalt  }
0x58: {  	_ =	shalt  }
0x59: {  	_ =	shalt  }
0x5a: {  	_ =	shalt  }
0x5b: {  	_ =	shalt  }
0x5c: {  	_ =	shalt  }
0x5d: {  	_ =	shalt  }
0x5e: {  	_ =	shalt  }
0x5f: {  	_ =	shalt  }
0x60: {  	_ =	shalt  }
0x61: {  	_ =	shalt  }
0x62: {  	_ =	shalt  }
0x63: {  	_ =	shalt  }
0x64: {  	_ =	shalt  }
0x65: {  	_ =	shalt  }
0x66: {  	_ =	shalt  }
0x67: {  	_ =	shalt  }
0x68: {  	_ =	shalt  }
0x69: {  	_ =	shalt  }
0x6a: {  	_ =	shalt  }
0x6b: {  	_ =	shalt  }
0x6c: {  	_ =	shalt  }
0x6d: {  	_ =	shalt  }
0x6e: {  	_ =	shalt  }
0x6f: {  	_ =	shalt  }
0x70: {  	_ =	shalt  }
0x71: {  	_ =	shalt  }
0x72: {  	_ =	shalt  }
0x73: {  	_ =	shalt  }
0x74: {  	_ =	shalt  }
0x75: {  	_ =	shalt  }
0x76: {  	_ =	shalt  }
0x77: {  	_ =	shalt  }
0x78: {  	_ =	shalt  }
0x79: {  	_ =	shalt  }
0x7a: {  	_ =	shalt  }
0x7b: {  	_ =	shalt  }
0x7c: {  	_ =	shalt  }
0x7d: {  	_ =	shalt  }
0x7e: {  	_ =	shalt  }
0x7f: {  	_ =	shalt  }
0x80: {  	_ =	shalt  }
0x81: {  	_ =	shalt  }
0x82: {  	_ =	shalt  }
0x83: {  	_ =	shalt  }
0x84: {  	_ =	shalt  }
0x85: {  	_ =	shalt  }
0x86: {  	_ =	shalt  }
0x87: {  	_ =	shalt  }
.Lfunc_end0:
.L_simem_size_0:
called_computation_lowered:
.L_overlay_start_0:
0x88: {  	s2 =	sld [smem:$0x3FD9]  }
0x89: {  	s3 =	sld [smem:$0x3FFE];
	_ =	sdelay $0x1  }
0x8a: {  	s1 =	srdreg.scid  }
0x8b: {  	s0 =	sand.u32 $0x1, s1  }
0x8c: {  	s17 =	sshll.u32 s0, $0xA;
	s2 =	sadd.s32 s3, s2  }
0x8d: {  	s2 =	sadd.s32 s2, s17  }
0x8e: {  	[smem:$0x3FC4] =	sst s2  }
0x8f: {  	_ = 	snop  }
0x90: {  	s2 =	sld [smem:$0x3FD0];
	(tm) =	ssettm $0x1  }
0x91: {  	s18 =	sld [smem:$0x3FFB];
	_ =	sdelay $0x3  }
0x92: {  	_ =	strace s18  }
0x93: {  	s3 =	sld [smem:$0x3FFC];
	_ =	sdelay $0x3  }
0x94: {  	_ =	strace s3  }
0x95: {  	s3 =	sld [smem:$0x3FFD];
	_ =	sdelay $0x3  }
0x96: {  	_ =	strace s3  }
0x97: {  	_ =	strace $0x8FFFFFFF  }
0x98: {  	s19 =	sld [smem:$0x3FDB];
	_ =	sdelay $0x1  }
0x99: {  	s4 =	simm.s32 $_scs_section_size  }
0x9a: {  	s5 =	simm.s32 $_size__tile_overlayer_lowered;
	s6 =	simm.s32 $_tile_overlayer_lowered  }
0x9b: {  	s22 =	simm.s32 $0x1BFF;
	s21 =	sshll.u32 s6, $0x1;
	s3 =	sadd.s32 s4, s19  }
0x9c: {  	s7 =	simm.s32 $0x0;
	s20 =	sshll.u32 s5, $0x1;
	s5 =	sadd.s32 s21, s3  }
0x9d: {  	[timem:s7], [sflag:s22] =	dma.local [hbm:s5], s20  }
0x9e: {  	_ =	swait.ge [sflag:s22], s20  }
0x9f: {  	s4 =	ssub.s32 $0x0, s20;
	[sflag:s22] =	ssyncset.done $0x0  }
0xa0: {  	[sflag:s22] =	ssyncadd.s32 s4;
	_ =	sdelay $0x1  }
0xa1: {  	s23 =	simm.s32 $0x1B8B  }
0xa2: {  	_ =	swait.ge [sflag:s23], $0x1  }
0xa3: {  	[sflag:s23] =	ssyncset.done $0x0  }
0xa4: {  	s25 =	simm.s32 $0x1B8E;
	s24 =	sld [smem:$0x3FFE];
	[sflag:s23] =	ssyncadd.s32 $0xFFFFFFFF  }
0xa5: {  	s26 =	simm.s32 $execute0_lowered;
	[smem:$0x3FD2] =	sst s25  }
0xa6: {  	s5 =	sshll.u32 s26, $0x1;
	_ =	strace $0x80000046;
	[dreg:$0x1] =	wrdreg $0xFFFFFFFF  }
0xa7: {  	s28 =	simm.s32 $_size_execute0_lowered;
	s3 =	sadd.s32 s3, s5;
	[dreg:$0x0] =	wrdreg $0x0  }
0xa8: {  	s5 =	sshll.u32 s28, $0x1;
	[dreg:$0x2] =	wrdreg s3  }
0xa9: {  	[dreg:$0x3] =	wrdreg s5  }
0xaa: {  	[dreg:$0x4] =	wrdreg $0xC0  }
0xab: {  	_ =	task [dreg:s7], $0x5FFFF  }
0xac: {  	[dreg:$0x1] =	wrdreg $0xFFFFFFFF  }
0xad: {  	[dreg:$0x0] =	wrdreg $0x60  }
0xae: {  	[dreg:$0x2] =	wrdreg s24  }
0xaf: {  	[dreg:$0x3] =	wrdreg s2  }
0xb0: {  	[dreg:$0x4] =	wrdreg $0x9  }
0xb1: {  	_ =	task.clear_ibuf [dreg:s7], $0x5FFFF;
	_ =	strace $0x90000046  }
0xb2: {  	s29 =	simm.s32 $0x9;
	_ =	strace $0x80000048  }
0xb3: {  	_ =	swait.ge [sflag:s29], $0x1  }
0xb4: {  	[sflag:s29] =	ssyncadd.s32 $0xFFFFFFFF  }
0xb5: {  	_ =	strace $0x90000048  }
0xb6: {  	_ =	sfence  }
0xb7: {  	s30 =	sld [smem:$0x0];
	_ =	sdelay $0x2  }
0xb8: {  	s31 =	sshll.u32 s1, $0xD;
	s1 =	sshrl.u32 s1, $0x2  }
0xb9: {  	s3 =	sand.u32 $0x4000, s31;
	s1 =	sadd.s32 s1, s30  }
0xba: {  	s0 =	sor.u32 s3, s0;
	s1 =	sshll.u32 s1, $0x11  }
0xbb: {  	s0 =	sor.u32 s1, s0  }
0xbc: {  	s0 =	sadd.s32 $0x8F2B, s0  }
0xbd: {  	[sflag:s0] =	ssyncadd.remote.s32 $0x1  }
0xbe: {  	_ =	sfence.sel $0xFFFF  }
0xbf: {  	[dreg:$0x0] =	wrdreg $0xFFFFFFFF;
	(pc) =	sbr.abs _section_cstart, $3  }
0xc0: {  	[dreg:$0x1] =	wrdreg $0xFFFFFFFF  }
0xc1: {  	_ =	task.clear_ibuf [dreg:s7], $0x2FFFF;
	_ =	strace $0x9FFFFFFF  }
0xc2: {  	(tm) =	ssettm $0x7FFFFFFF  }
0xc3: {  	_ =	shalt  }
tec
execute0_lowered:
.L_overlay_start_1:
0x0: {  	(tag) =	ssettag $0x1  }
0x1: {  	s1 =	srdreg.scid;
	s0 =	stileid.u32  }
0x2: {  	s10 =	rddreg [dreg:$0x0];
	s24 =	sand.u32 $0x1, s1;
	s30 =	sshll.u32 s0, $0x1  }
0x3: {  	s3 =	rddreg [dreg:$0x1];
	s11 =	sor.u32 s24, s30  }
0x4: {  	s2 =	simm.s32 $0x0;
	s1 =	rddreg [dreg:$0x2];
	s4 =	smul.u32 $0xC80, s11  }
0x5: {  	[smem:$0x7FF] =	sst s2  }
0x6: {  	_ =	strace $0x80000047;
	s4 =	sadd.s32 s3, s4;
	s3 =	simm.s32 $0x3  }
0x7: {  	[tilespmem:s2], [sflag:$0x3] =	stream.linear.gather [hbm4b:s4+s2], $0x6400, $0x38;
	[tilespmem:$0x12C00] =	vst v63  }
0x8: {  	_ =	swait.ge [sflag:s3], $0x6400  }
0x9: {  	s6 =	simm.s32 $0xC80;
	[sflag:s3] =	ssyncset.done $0x0  }
0xa: {  	s7 =	simm.s32 $0x6400;
	s5 =	sadd.s32 $0x200, s10;
	[sflag:s3] =	ssyncadd.s32 $0xFFFF9C00  }
0xb: {  	[tilespmem:s7], [sflag:$0x1] =	stream.indirect.gather [hbm4b:s5+s6], $0x8, s2, s6, $0xb8;
	[tilespmem:$0x12C00] =	vst v63  }
0xc: {  	s8 =	simm.s32 $0xC800;
	s9 =	simm.s32 $0x1  }
0xd: {  	[tilespmem:s8], [sflag:$0x2] =	stream.indirect.gather [hbm4b:s5+s6], $0x8, s6, s6, $0xb8;
	[tilespmem:$0x12C00] =	vst v63  }
0xe: {  	s12 =	smul.u32 $0x6400, s11;
	_ =	swait.ge [sflag:s9], $0x6400  }
0xf: {  	s13 =	sadd.s32 $0xF4600, s10;
	[sflag:s9] =	ssyncset.done $0x0  }
0x10: {  	s10 =	sadd.s32 s13, s12;
	[sflag:s9] =	ssyncadd.s32 $0xFFFF9C00  }
0x11: {  	[hbm4b:s10+s2] =	stream.linear.scatter [tilespmem:s7], [sflag:$0x3], $0x6400, $0x38;
	[tilespmem:$0x12C00] =	vst v63  }
0x12: {  	_ =	swait.ge [sflag:s3], $0x6400  }
0x13: {  	s14 =	smul.u32 $0x32000, s11;
	[sflag:s3] =	ssyncset.done $0x0  }
0x14: {  	s11 =	simm.s32 $0x1900;
	s12 =	simm.s32 $0x2;
	[sflag:s3] =	ssyncadd.s32 $0xFFFF9C00  }
0x15: {  	[tilespmem:s7], [sflag:$0x1] =	stream.indirect.gather [hbm4b:s5+s6], $0x8, s11, s6, $0xb8;
	[tilespmem:$0x12C00] =	vst v63  }
0x16: {  	s14 =	sshrl.u32 s14, $0x3;
	_ =	swait.ge [sflag:s12], $0x6400  }
0x17: {  	s25 =	sadd.s32 s13, s14;
	[sflag:s12] =	ssyncset.done $0x0  }
0x18: {  	s13 =	sadd.s32 $0xC80, s25;
	[sflag:s12] =	ssyncadd.s32 $0xFFFF9C00  }
0x19: {  	[hbm4b:s13+s2] =	stream.linear.scatter [tilespmem:s8], [sflag:$0x3], $0x6400, $0x38;
	[tilespmem:$0x12C00] =	vst v63  }
0x1a: {  	_ =	swait.ge [sflag:s3], $0x6400  }
0x1b: {  	[sflag:s3] =	ssyncset.done $0x0  }
0x1c: {  	s14 =	simm.s32 $0x2580;
	[sflag:s3] =	ssyncadd.s32 $0xFFFF9C00  }
0x1d: {  	[tilespmem:s8], [sflag:$0x2] =	stream.indirect.gather [hbm4b:s5+s6], $0x8, s14, s6, $0xb8;
	[tilespmem:$0x12C00] =	vst v63  }
0x1e: {  	_ =	swait.ge [sflag:s9], $0x6400  }
0x1f: {  	[sflag:s9] =	ssyncset.done $0x0  }
0x20: {  	s15 =	sadd.s32 $0x1900, s25;
	[sflag:s9] =	ssyncadd.s32 $0xFFFF9C00  }
0x21: {  	[hbm4b:s15+s2] =	stream.linear.scatter [tilespmem:s7], [sflag:$0x3], $0x6400, $0x38;
	[tilespmem:$0x12C00] =	vst v63  }
0x22: {  	_ =	swait.ge [sflag:s3], $0x6400  }
0x23: {  	[sflag:s3] =	ssyncset.done $0x0  }
0x24: {  	s16 =	simm.s32 $0x3200;
	[sflag:s3] =	ssyncadd.s32 $0xFFFF9C00  }
0x25: {  	[tilespmem:s7], [sflag:$0x1] =	stream.indirect.gather [hbm4b:s5+s6], $0x8, s16, s6, $0xb8;
	[tilespmem:$0x12C00] =	vst v63  }
0x26: {  	_ =	swait.ge [sflag:s12], $0x6400  }
0x27: {  	[sflag:s12] =	ssyncset.done $0x0  }
0x28: {  	s17 =	sadd.s32 $0x2580, s25;
	[sflag:s12] =	ssyncadd.s32 $0xFFFF9C00  }
0x29: {  	[hbm4b:s17+s2] =	stream.linear.scatter [tilespmem:s8], [sflag:$0x3], $0x6400, $0x38;
	[tilespmem:$0x12C00] =	vst v63  }
0x2a: {  	_ =	swait.ge [sflag:s3], $0x6400  }
0x2b: {  	[sflag:s3] =	ssyncset.done $0x0  }
0x2c: {  	s18 =	simm.s32 $0x3E80;
	[sflag:s3] =	ssyncadd.s32 $0xFFFF9C00  }
0x2d: {  	[tilespmem:s8], [sflag:$0x2] =	stream.indirect.gather [hbm4b:s5+s6], $0x8, s18, s6, $0xb8;
	[tilespmem:$0x12C00] =	vst v63  }
0x2e: {  	_ =	swait.ge [sflag:s9], $0x6400  }
0x2f: {  	[sflag:s9] =	ssyncset.done $0x0  }
0x30: {  	s19 =	sadd.s32 $0x3200, s25;
	[sflag:s9] =	ssyncadd.s32 $0xFFFF9C00  }
0x31: {  	[hbm4b:s19+s2] =	stream.linear.scatter [tilespmem:s7], [sflag:$0x3], $0x6400, $0x38;
	[tilespmem:$0x12C00] =	vst v63  }
0x32: {  	_ =	swait.ge [sflag:s3], $0x6400  }
0x33: {  	[sflag:s3] =	ssyncset.done $0x0  }
0x34: {  	s20 =	simm.s32 $0x4B00;
	[sflag:s3] =	ssyncadd.s32 $0xFFFF9C00  }
0x35: {  	[tilespmem:s7], [sflag:$0x1] =	stream.indirect.gather [hbm4b:s5+s6], $0x8, s20, s6, $0xb8;
	[tilespmem:$0x12C00] =	vst v63  }
0x36: {  	_ =	swait.ge [sflag:s12], $0x6400  }
0x37: {  	[sflag:s12] =	ssyncset.done $0x0  }
0x38: {  	s21 =	sadd.s32 $0x3E80, s25;
	[sflag:s12] =	ssyncadd.s32 $0xFFFF9C00  }
0x39: {  	[hbm4b:s21+s2] =	stream.linear.scatter [tilespmem:s8], [sflag:$0x3], $0x6400, $0x38;
	[tilespmem:$0x12C00] =	vst v63  }
0x3a: {  	_ =	swait.ge [sflag:s3], $0x6400  }
0x3b: {  	[sflag:s3] =	ssyncset.done $0x0  }
0x3c: {  	s22 =	simm.s32 $0x5780;
	[sflag:s3] =	ssyncadd.s32 $0xFFFF9C00  }
0x3d: {  	[tilespmem:s8], [sflag:$0x2] =	stream.indirect.gather [hbm4b:s5+s6], $0x8, s22, s6, $0xb8;
	[tilespmem:$0x12C00] =	vst v63  }
0x3e: {  	_ =	swait.ge [sflag:s9], $0x6400  }
0x3f: {  	[sflag:s9] =	ssyncset.done $0x0  }
0x40: {  	s24 =	ssub.s32 $0x2, s24;
	s23 =	sadd.s32 $0x4B00, s25;
	[sflag:s9] =	ssyncadd.s32 $0xFFFF9C00  }
0x41: {  	[hbm4b:s23+s2] =	stream.linear.scatter [tilespmem:s7], [sflag:$0x3], $0x6400, $0x38;
	[tilespmem:$0x12C00] =	vst v63  }
0x42: {  	s26 =	sshrl.u32 s24, $0x1;
	_ =	swait.ge [sflag:s3], $0x6400  }
0x43: {  	s26 =	ssub.s32 s24, s26;
	[sflag:s3] =	ssyncset.done $0x0  }
0x44: {  	s31 =	smax.u32 s26, $0x1;
	[sflag:s3] =	ssyncadd.s32 $0xFFFF9C00  }
0x45: {  	p0 =	sne.s32 s31, $0x1;
	_ =	swait.ge [sflag:s12], $0x6400  }
.Ltmp0:
0x46: {  	[sflag:s12] =	ssyncset.done $0x0;
	(pc) =	sbr.rel @!p0 .LBB2_2-.Ltmp0, $4  }
0x47: {  	s24 =	sadd.s32 $0x5780, s25;
	[sflag:s12] =	ssyncadd.s32 $0xFFFF9C00  }
0x48: {  	[hbm4b:s24+s2] =	stream.linear.scatter [tilespmem:s8], [sflag:$0x3], $0x6400, $0x38;
	[tilespmem:$0x12C00] =	vst v63  }
0x49: {  	_ =	swait.ge [sflag:s3], $0x6400  }
0x4a: {  	s25 =	sadd.s32 $0xFFFFFFFF, s31;
	[sflag:s3] =	ssyncset.done $0x0  }
.LBB2_1:
0x4b: {  	p0 =	sne.s32 s25, $0x1;
	s25 =	sadd.s32 $0xFFFFFFFF, s25;
	[sflag:s3] =	ssyncadd.s32 $0xFFFF9C00  }
0x4c: {  	[tilespmem:s2], [sflag:$0x3] =	stream.linear.gather [hbm4b:s4+s2], $0x6400, $0x38;
	[tilespmem:$0x12C00] =	vst v63  }
0x4d: {  	_ =	swait.ge [sflag:s3], $0x6400  }
0x4e: {  	[sflag:s3] =	ssyncset.done $0x0  }
0x4f: {  	[sflag:s3] =	ssyncadd.s32 $0xFFFF9C00  }
0x50: {  	[tilespmem:s7], [sflag:$0x1] =	stream.indirect.gather [hbm4b:s5+s6], $0x8, s2, s6, $0xb8;
	[tilespmem:$0x12C00] =	vst v63  }
0x51: {  	_ = 	snop  }
0x52: {  	[tilespmem:s8], [sflag:$0x2] =	stream.indirect.gather [hbm4b:s5+s6], $0x8, s6, s6, $0xb8;
	[tilespmem:$0x12C00] =	vst v63  }
0x53: {  	_ =	swait.ge [sflag:s9], $0x6400  }
0x54: {  	[sflag:s9] =	ssyncset.done $0x0  }
0x55: {  	[sflag:s9] =	ssyncadd.s32 $0xFFFF9C00  }
0x56: {  	[hbm4b:s10+s2] =	stream.linear.scatter [tilespmem:s7], [sflag:$0x3], $0x6400, $0x38;
	[tilespmem:$0x12C00] =	vst v63  }
0x57: {  	_ =	swait.ge [sflag:s3], $0x6400  }
0x58: {  	[sflag:s3] =	ssyncset.done $0x0  }
0x59: {  	[sflag:s3] =	ssyncadd.s32 $0xFFFF9C00  }
0x5a: {  	[tilespmem:s7], [sflag:$0x1] =	stream.indirect.gather [hbm4b:s5+s6], $0x8, s11, s6, $0xb8;
	[tilespmem:$0x12C00] =	vst v63  }
0x5b: {  	_ =	swait.ge [sflag:s12], $0x6400  }
0x5c: {  	[sflag:s12] =	ssyncset.done $0x0  }
0x5d: {  	[sflag:s12] =	ssyncadd.s32 $0xFFFF9C00  }
0x5e: {  	[hbm4b:s13+s2] =	stream.linear.scatter [tilespmem:s8], [sflag:$0x3], $0x6400, $0x38;
	[tilespmem:$0x12C00] =	vst v63  }
0x5f: {  	_ =	swait.ge [sflag:s3], $0x6400  }
0x60: {  	[sflag:s3] =	ssyncset.done $0x0  }
0x61: {  	[sflag:s3] =	ssyncadd.s32 $0xFFFF9C00  }
0x62: {  	[tilespmem:s8], [sflag:$0x2] =	stream.indirect.gather [hbm4b:s5+s6], $0x8, s14, s6, $0xb8;
	[tilespmem:$0x12C00] =	vst v63  }
0x63: {  	_ =	swait.ge [sflag:s9], $0x6400  }
0x64: {  	[sflag:s9] =	ssyncset.done $0x0  }
0x65: {  	[sflag:s9] =	ssyncadd.s32 $0xFFFF9C00  }
0x66: {  	[hbm4b:s15+s2] =	stream.linear.scatter [tilespmem:s7], [sflag:$0x3], $0x6400, $0x38;
	[tilespmem:$0x12C00] =	vst v63  }
0x67: {  	_ =	swait.ge [sflag:s3], $0x6400  }
0x68: {  	[sflag:s3] =	ssyncset.done $0x0  }
0x69: {  	[sflag:s3] =	ssyncadd.s32 $0xFFFF9C00  }
0x6a: {  	[tilespmem:s7], [sflag:$0x1] =	stream.indirect.gather [hbm4b:s5+s6], $0x8, s16, s6, $0xb8;
	[tilespmem:$0x12C00] =	vst v63  }
0x6b: {  	_ =	swait.ge [sflag:s12], $0x6400  }
0x6c: {  	[sflag:s12] =	ssyncset.done $0x0  }
0x6d: {  	[sflag:s12] =	ssyncadd.s32 $0xFFFF9C00  }
0x6e: {  	[hbm4b:s17+s2] =	stream.linear.scatter [tilespmem:s8], [sflag:$0x3], $0x6400, $0x38;
	[tilespmem:$0x12C00] =	vst v63  }
0x6f: {  	_ =	swait.ge [sflag:s3], $0x6400  }
0x70: {  	[sflag:s3] =	ssyncset.done $0x0  }
0x71: {  	[sflag:s3] =	ssyncadd.s32 $0xFFFF9C00  }
0x72: {  	[tilespmem:s8], [sflag:$0x2] =	stream.indirect.gather [hbm4b:s5+s6], $0x8, s18, s6, $0xb8;
	[tilespmem:$0x12C00] =	vst v63  }
0x73: {  	_ =	swait.ge [sflag:s9], $0x6400  }
0x74: {  	[sflag:s9] =	ssyncset.done $0x0  }
0x75: {  	[sflag:s9] =	ssyncadd.s32 $0xFFFF9C00  }
0x76: {  	[hbm4b:s19+s2] =	stream.linear.scatter [tilespmem:s7], [sflag:$0x3], $0x6400, $0x38;
	[tilespmem:$0x12C00] =	vst v63  }
0x77: {  	_ =	swait.ge [sflag:s3], $0x6400  }
0x78: {  	[sflag:s3] =	ssyncset.done $0x0  }
0x79: {  	[sflag:s3] =	ssyncadd.s32 $0xFFFF9C00  }
0x7a: {  	[tilespmem:s7], [sflag:$0x1] =	stream.indirect.gather [hbm4b:s5+s6], $0x8, s20, s6, $0xb8;
	[tilespmem:$0x12C00] =	vst v63  }
0x7b: {  	_ =	swait.ge [sflag:s12], $0x6400  }
0x7c: {  	[sflag:s12] =	ssyncset.done $0x0  }
0x7d: {  	[sflag:s12] =	ssyncadd.s32 $0xFFFF9C00  }
0x7e: {  	[hbm4b:s21+s2] =	stream.linear.scatter [tilespmem:s8], [sflag:$0x3], $0x6400, $0x38;
	[tilespmem:$0x12C00] =	vst v63  }
0x7f: {  	_ =	swait.ge [sflag:s3], $0x6400  }
0x80: {  	[sflag:s3] =	ssyncset.done $0x0  }
0x81: {  	[sflag:s3] =	ssyncadd.s32 $0xFFFF9C00  }
0x82: {  	[tilespmem:s8], [sflag:$0x2] =	stream.indirect.gather [hbm4b:s5+s6], $0x8, s22, s6, $0xb8;
	[tilespmem:$0x12C00] =	vst v63  }
0x83: {  	_ =	swait.ge [sflag:s9], $0x6400  }
0x84: {  	[sflag:s9] =	ssyncset.done $0x0  }
0x85: {  	[sflag:s9] =	ssyncadd.s32 $0xFFFF9C00  }
0x86: {  	[hbm4b:s23+s2] =	stream.linear.scatter [tilespmem:s7], [sflag:$0x3], $0x6400, $0x38;
	[tilespmem:$0x12C00] =	vst v63  }
0x87: {  	_ =	swait.ge [sflag:s3], $0x6400  }
0x88: {  	[sflag:s3] =	ssyncset.done $0x0  }
0x89: {  	[sflag:s3] =	ssyncadd.s32 $0xFFFF9C00  }
0x8a: {  	_ =	swait.ge [sflag:s12], $0x6400  }
.Ltmp1:
0x8b: {  	[sflag:s12] =	ssyncset.done $0x0;
	(pc) =	sbr.rel @p0 .LBB2_1-.Ltmp1, $4  }
0x8c: {  	[sflag:s12] =	ssyncadd.s32 $0xFFFF9C00  }
0x8d: {  	[hbm4b:s24+s2] =	stream.linear.scatter [tilespmem:s8], [sflag:$0x3], $0x6400, $0x38;
	[tilespmem:$0x12C00] =	vst v63  }
0x8e: {  	_ =	swait.ge [sflag:s3], $0x6400  }
0x8f: {  	[sflag:s3] =	ssyncset.done $0x0  }
.LBB2_2:
0x90: {  	[sflag:s3] =	ssyncadd.s32 $0xFFFF9C00  }
0x91: {  	_ =	sfence.sel $0x180000  }
0x92: {  	[bflag:$0x0] =	sbarrier.arrive $0xFFFF  }
0x93: {  	p0 =	sne.s32 s0, $0x0;
	_ =	strace $0x90000047  }
0x94: {  	s0 =	sadd.s32 @!p0 $0x100000, s1;
	[bflag:$0x2] =	sbarrier.arrive $0xFFFF  }
0x95: {  	[sflag:s0] =	ssyncadd.tile.s32 @!p0 $0x1;
	_ =	shalt  }
.Lfunc_end2:
_tile_overlayer_lowered:
.L_overlay_start_2:
0x96: {  	(tag) =	ssettag $0x2  }
0x97: {  	s0 =	rddreg [dreg:$0x0];
	s2 =	stileid.u32  }
0x98: {  	s1 =	rddreg [dreg:$0x1];
	p0 =	sne.s32 s2, $0x0  }
0x99: {  	s3 =	rddreg [dreg:$0x2];
	[bflag:$0x3] =	sbarrier.arrive $0xFFFF;
	s2 =	simm.s32 @!p0 $0x1C03  }
0x9a: {  	[timem:s3], [sflag:s2] =	dma.local @!p0 [hbm:s0], s1  }
0x9b: {  	s0 =	simm.s32 @!p0 $0x3  }
0x9c: {  	_ =	swait.ge @!p0 [sflag:s0], s1  }
0x9d: {  	s1 =	ssub.s32 @!p0 $0x0, s1;
	[sflag:s0] =	ssyncset.done @!p0 $0x0  }
0x9e: {  	[sflag:s0] =	ssyncadd.s32 @!p0 s1  }
0x9f: {  	[bflag:$0x3] =	sbarrier.arrive $0xFFFF  }
0xa0: {  	_ =	shalt  }

</sc_bundles>
